<compile_context>
chip_gen: v7x
topology: tpu7x:2x2x1
jax: 0.10.2.dev20260603
libtpu: 0.0.44.dev20260713+nightly
codegen_flags: <defaults>
</compile_context>

<pallas_src>
import jax
import jax.numpy as jnp
from jax import lax
from jax.experimental import pallas as pl
from jax.experimental.pallas import tpu as pltpu
from jax.experimental.pallas import tpu_sc as plsc

_TIMESTEPS = 1000
_N = 16384
_NC = 2
_NS = 16
_L = 16
_NW = _NC * _NS
_CHUNK = _N // _NW
_TABLE_PAD = 1024


def _lookup_body(t_hbm, gamma_hbm, out_hbm, t_v, gamma_v, out_v, sem_t, sem_g):
    wid = lax.axis_index("s") * _NC + lax.axis_index("c")
    base = wid * _CHUNK
    cp_t = pltpu.async_copy(t_hbm.at[pl.ds(base, _CHUNK)], t_v, sem_t)
    cp_g = pltpu.async_copy(gamma_hbm, gamma_v, sem_g)
    cp_t.wait()
    cp_g.wait()

    @pl.loop(0, _CHUNK, step=_L, unroll=4)
    def _(off):
        x = t_v[pl.ds(off, _L)] * float(_TIMESTEPS)
        idx = (x + 0.5).astype(jnp.int32)
        tie = (idx.astype(jnp.float32) - x) == 0.5
        odd = lax.bitwise_and(idx, 1) == 1
        idx = jnp.where(jnp.logical_and(tie, odd), idx - 1, idx)
        out_v[pl.ds(off, _L)] = plsc.load_gather(gamma_v, [idx])

    pltpu.sync_copy(out_v, out_hbm.at[pl.ds(base, _CHUNK)])


@jax.jit
def kernel(t, gamma):
    run = pl.kernel(
        _lookup_body,
        out_type=jax.ShapeDtypeStruct((_N,), jnp.float32),
        mesh=plsc.VectorSubcoreMesh(core_axis_name="c", subcore_axis_name="s"),
        scratch_types=[
            pltpu.VMEM((_CHUNK,), jnp.float32),
            pltpu.VMEM((1001,), jnp.float32),
            pltpu.VMEM((_CHUNK,), jnp.float32),
            pltpu.SemaphoreType.DMA,
            pltpu.SemaphoreType.DMA,
        ],
        compiler_params=pltpu.CompilerParams(
            needs_layout_passes=False,
            skip_device_barrier=True,
            disable_bounds_checks=True,
            disable_semaphore_checks=True,
        ),
    )
    return run(t, gamma)

# --- scband reference (transcript-rebuilt; emitter-appended) ---
"""Pipeline reference for scband-predefined-noise-schedule-11287174054233 (READ-ONLY COPY).

The authoritative reference and input builder live on the scoring server;
editing this copy changes nothing except your own understanding.
"""

import jax, jax.numpy as jnp
import numpy as np

TIMESTEPS = 1000
PRECISION = 1e-05
POWER = 2


def clip_noise_schedule(alphas2, clip_value=0.001):
    alphas2 = jnp.concatenate((jnp.ones((1,), dtype=alphas2.dtype), alphas2), axis=0)
    alphas_step = alphas2[1:] / alphas2[:-1]
    alphas_step = jnp.clip(alphas_step, clip_value, 1.0)
    alphas2 = jnp.cumprod(alphas_step, axis=0)
    return alphas2


def polynomial_schedule(timesteps, s=0.0001, power=2):
    steps = timesteps + 1
    x = jnp.linspace(0.0, float(steps), steps)
    alphas2 = (1.0 - jnp.power(x / steps, power)) ** 2
    alphas2 = clip_noise_schedule(alphas2, clip_value=0.001)
    precision = 1.0 - 2.0 * s
    alphas2 = precision * alphas2 + s
    return alphas2


def make_gamma():
    alphas2 = polynomial_schedule(TIMESTEPS, s=PRECISION, power=POWER)
    sigmas2 = 1.0 - alphas2
    log_alphas2 = jnp.log(alphas2)
    log_sigmas2 = jnp.log(sigmas2)
    log_alphas2_to_sigmas2 = log_alphas2 - log_sigmas2
    return (-log_alphas2_to_sigmas2).astype(jnp.float32)


def setup_inputs(seed: int = 0) -> dict:
    key = jax.random.key(seed)
    t = jax.random.uniform(key, (16384,), dtype=jnp.float32)
    gamma = make_gamma()
    return {"t": t, "gamma": gamma}


def reference(t, gamma):
    t_int = jnp.round(t * TIMESTEPS).astype(jnp.int32)
    return jnp.take(gamma, t_int, axis=0)

if __name__ == "__main__":
    import jax
    _d = setup_inputs()
    print(jax.jit(kernel)(*tuple(_d.values())))

</pallas_src>

<mosaic_0001>
#map = affine_map<(d0, d1) -> (0)>
module attributes {stable_mosaic.version = 14 : i64} {
  func.func @_lookup_body(%arg0: i32, %arg1: i32, %arg2: memref<16384xf32, #tpu.memory_space<hbm>>, %arg3: memref<1001xf32, #tpu.memory_space<hbm>>, %arg4: memref<16384xf32, #tpu.memory_space<hbm>>, %arg5: memref<512xf32, #tpu.memory_space<vmem>>, %arg6: memref<1001xf32, #tpu.memory_space<vmem>>, %arg7: memref<512xf32, #tpu.memory_space<vmem>>, %arg8: memref<!tpu.dma_semaphore, #tpu.memory_space<semaphore_mem>>, %arg9: memref<!tpu.dma_semaphore, #tpu.memory_space<semaphore_mem>>) attributes {dimension_semantics = [#tpu.dimension_semantics<core_parallel>, #tpu.dimension_semantics<subcore_parallel>], iteration_bounds = array<i64: 2, 16>, scalar_prefetch = 0 : i64, scratch_operands = 5 : i64, tpu.core_type = #tpu.core_type<sc_vector_subcore>, window_params = [{transform_indices = #map}, {transform_indices = #map}, {transform_indices = #map}]} {
    %mul3A = arith.constant 2 : i32
    %mul3A_0 = arith.muli %arg1, %mul3A : i32
    %add3A = arith.addi %mul3A_0, %arg0 : i32
    %mul3A_1 = arith.constant 512 : i32
    %mul3A_2 = arith.muli %add3A, %mul3A_1 : i32
    %dma_start3A = tpu.memref_slice %arg2[%mul3A_2] : memref<16384xf32, #tpu.memory_space<hbm>> -> memref<512xf32, #tpu.memory_space<hbm>>
    %dma_start3A_3 = tpu.memref_slice %arg2[%mul3A_2] : memref<16384xf32, #tpu.memory_space<hbm>> -> memref<512xf32, #tpu.memory_space<hbm>>
    tpu.enqueue_dma source(%dma_start3A_3 : memref<512xf32, #tpu.memory_space<hbm>>) target(%arg5 : memref<512xf32, #tpu.memory_space<vmem>>) target_semaphore(%arg8 : memref<!tpu.dma_semaphore, #tpu.memory_space<semaphore_mem>>)
    tpu.enqueue_dma source(%arg3 : memref<1001xf32, #tpu.memory_space<hbm>>) target(%arg6 : memref<1001xf32, #tpu.memory_space<vmem>>) target_semaphore(%arg9 : memref<!tpu.dma_semaphore, #tpu.memory_space<semaphore_mem>>)
    %dma_wait3A = tpu.memref_slice %arg2[%mul3A_2] : memref<16384xf32, #tpu.memory_space<hbm>> -> memref<512xf32, #tpu.memory_space<hbm>>
    %dma_wait3A_4 = tpu.memref_slice %arg2[%mul3A_2] : memref<16384xf32, #tpu.memory_space<hbm>> -> memref<512xf32, #tpu.memory_space<hbm>>
    tpu.wait_dma2 semaphore(%arg8 : memref<!tpu.dma_semaphore, #tpu.memory_space<semaphore_mem>>) src(%dma_wait3A_4 : memref<512xf32, #tpu.memory_space<hbm>>) dst(%arg5 : memref<512xf32, #tpu.memory_space<vmem>>)
    tpu.wait_dma2 semaphore(%arg9 : memref<!tpu.dma_semaphore, #tpu.memory_space<semaphore_mem>>) src(%arg3 : memref<1001xf32, #tpu.memory_space<hbm>>) dst(%arg6 : memref<1001xf32, #tpu.memory_space<vmem>>)
    %scan3A = arith.constant 0 : i32
    %scan3A_5 = arith.constant 32 : i32
    %scan3A_6 = arith.addi %scan3A, %scan3A_5 : i32
    %scan3A_7 = arith.constant 4 : i32
    scf.for %scan3A_9 = %scan3A to %scan3A_6 step %scan3A_7  : i32 {
      %mul3A_10 = arith.constant 16 : i32
      %mul3A_11 = arith.muli %scan3A_9, %mul3A_10 : i32
      %add3A_12 = arith.constant 0 : i32
      %add3A_13 = arith.addi %add3A_12, %mul3A_11 : i32
      %get3A = arith.index_cast %add3A_13 : i32 to index
      %get3A_14 = tpu.vector_load %arg5[%get3A] {strides = array<i32>} : memref<512xf32, #tpu.memory_space<vmem>>, vector<16xf32>,
      %mul3A_15 = arith.constant 1.000000e+03 : f32
      %mul3A_16 = vector.broadcast %mul3A_15 : f32 to vector<16xf32>
      %mul3A_17 = arith.mulf %get3A_14, %mul3A_16 : vector<16xf32>
      %add3A_18 = arith.constant 5.000000e-01 : f32
      %add3A_19 = vector.broadcast %add3A_18 : f32 to vector<16xf32>
      %add3A_20 = arith.addf %mul3A_17, %add3A_19 : vector<16xf32>
      %convert_element_type3A = arith.fptosi %add3A_20 : vector<16xf32> to vector<16xi32>
      %convert_element_type3A_21 = arith.sitofp %convert_element_type3A : vector<16xi32> to vector<16xf32>
      %sub3A = arith.subf %convert_element_type3A_21, %mul3A_17 : vector<16xf32>
      %eq3A = arith.constant 5.000000e-01 : f32
      %eq3A_22 = vector.broadcast %eq3A : f32 to vector<16xf32>
      %eq3A_23 = arith.cmpf oeq, %sub3A, %eq3A_22 : vector<16xf32>
      %and3A = arith.constant 1 : i32
      %and3A_24 = vector.broadcast %and3A : i32 to vector<16xi32>
      %and3A_25 = arith.andi %convert_element_type3A, %and3A_24 : vector<16xi32>
      %eq3A_26 = arith.constant 1 : i32
      %eq3A_27 = vector.broadcast %eq3A_26 : i32 to vector<16xi32>
      %eq3A_28 = arith.cmpi eq, %and3A_25, %eq3A_27 : vector<16xi32>
      %and3A_29 = arith.andi %eq3A_23, %eq3A_28 : vector<16xi1>
      %sub3A_30 = arith.constant 1 : i32
      %sub3A_31 = vector.broadcast %sub3A_30 : i32 to vector<16xi32>
      %sub3A_32 = arith.subi %convert_element_type3A, %sub3A_31 : vector<16xi32>
      %select_n3A = arith.select %and3A_29, %sub3A_32, %convert_element_type3A : vector<16xi1>, vector<16xi32>
      %gather3A = tpu.vector_load_idx %arg6[%select_n3A] : memref<1001xf32, #tpu.memory_space<vmem>>[vector<16xi32>], vector<16xf32>,
      %swap3A = arith.index_cast %add3A_13 : i32 to index
      %swap3A_33 = tpu.vector_load %arg7[%swap3A] {strides = array<i32>} : memref<512xf32, #tpu.memory_space<vmem>>, vector<16xf32>,
      tpu.vector_store %arg7[%swap3A], %gather3A {strides = array<i32>} : memref<512xf32, #tpu.memory_space<vmem>>, vector<16xf32>,
      %scan3A_34 = arith.constant 1 : i32
      %scan3A_35 = arith.addi %scan3A_9, %scan3A_34 : i32
      %mul3A_36 = arith.constant 16 : i32
      %mul3A_37 = arith.muli %scan3A_35, %mul3A_36 : i32
      %add3A_38 = arith.constant 0 : i32
      %add3A_39 = arith.addi %add3A_38, %mul3A_37 : i32
      %get3A_40 = arith.index_cast %add3A_39 : i32 to index
      %get3A_41 = tpu.vector_load %arg5[%get3A_40] {strides = array<i32>} : memref<512xf32, #tpu.memory_space<vmem>>, vector<16xf32>,
      %mul3A_42 = arith.constant 1.000000e+03 : f32
      %mul3A_43 = vector.broadcast %mul3A_42 : f32 to vector<16xf32>
      %mul3A_44 = arith.mulf %get3A_41, %mul3A_43 : vector<16xf32>
      %add3A_45 = arith.constant 5.000000e-01 : f32
      %add3A_46 = vector.broadcast %add3A_45 : f32 to vector<16xf32>
      %add3A_47 = arith.addf %mul3A_44, %add3A_46 : vector<16xf32>
      %convert_element_type3A_48 = arith.fptosi %add3A_47 : vector<16xf32> to vector<16xi32>
      %convert_element_type3A_49 = arith.sitofp %convert_element_type3A_48 : vector<16xi32> to vector<16xf32>
      %sub3A_50 = arith.subf %convert_element_type3A_49, %mul3A_44 : vector<16xf32>
      %eq3A_51 = arith.constant 5.000000e-01 : f32
      %eq3A_52 = vector.broadcast %eq3A_51 : f32 to vector<16xf32>
      %eq3A_53 = arith.cmpf oeq, %sub3A_50, %eq3A_52 : vector<16xf32>
      %and3A_54 = arith.constant 1 : i32
      %and3A_55 = vector.broadcast %and3A_54 : i32 to vector<16xi32>
      %and3A_56 = arith.andi %convert_element_type3A_48, %and3A_55 : vector<16xi32>
      %eq3A_57 = arith.constant 1 : i32
      %eq3A_58 = vector.broadcast %eq3A_57 : i32 to vector<16xi32>
      %eq3A_59 = arith.cmpi eq, %and3A_56, %eq3A_58 : vector<16xi32>
      %and3A_60 = arith.andi %eq3A_53, %eq3A_59 : vector<16xi1>
      %sub3A_61 = arith.constant 1 : i32
      %sub3A_62 = vector.broadcast %sub3A_61 : i32 to vector<16xi32>
      %sub3A_63 = arith.subi %convert_element_type3A_48, %sub3A_62 : vector<16xi32>
      %select_n3A_64 = arith.select %and3A_60, %sub3A_63, %convert_element_type3A_48 : vector<16xi1>, vector<16xi32>
      %gather3A_65 = tpu.vector_load_idx %arg6[%select_n3A_64] : memref<1001xf32, #tpu.memory_space<vmem>>[vector<16xi32>], vector<16xf32>,
      %swap3A_66 = arith.index_cast %add3A_39 : i32 to index
      %swap3A_67 = tpu.vector_load %arg7[%swap3A_66] {strides = array<i32>} : memref<512xf32, #tpu.memory_space<vmem>>, vector<16xf32>,
      tpu.vector_store %arg7[%swap3A_66], %gather3A_65 {strides = array<i32>} : memref<512xf32, #tpu.memory_space<vmem>>, vector<16xf32>,
      %scan3A_68 = arith.constant 2 : i32
      %scan3A_69 = arith.addi %scan3A_9, %scan3A_68 : i32
      %mul3A_70 = arith.constant 16 : i32
      %mul3A_71 = arith.muli %scan3A_69, %mul3A_70 : i32
      %add3A_72 = arith.constant 0 : i32
      %add3A_73 = arith.addi %add3A_72, %mul3A_71 : i32
      %get3A_74 = arith.index_cast %add3A_73 : i32 to index
      %get3A_75 = tpu.vector_load %arg5[%get3A_74] {strides = array<i32>} : memref<512xf32, #tpu.memory_space<vmem>>, vector<16xf32>,
      %mul3A_76 = arith.constant 1.000000e+03 : f32
      %mul3A_77 = vector.broadcast %mul3A_76 : f32 to vector<16xf32>
      %mul3A_78 = arith.mulf %get3A_75, %mul3A_77 : vector<16xf32>
      %add3A_79 = arith.constant 5.000000e-01 : f32
      %add3A_80 = vector.broadcast %add3A_79 : f32 to vector<16xf32>
      %add3A_81 = arith.addf %mul3A_78, %add3A_80 : vector<16xf32>
      %convert_element_type3A_82 = arith.fptosi %add3A_81 : vector<16xf32> to vector<16xi32>
      %convert_element_type3A_83 = arith.sitofp %convert_element_type3A_82 : vector<16xi32> to vector<16xf32>
      %sub3A_84 = arith.subf %convert_element_type3A_83, %mul3A_78 : vector<16xf32>
      %eq3A_85 = arith.constant 5.000000e-01 : f32
      %eq3A_86 = vector.broadcast %eq3A_85 : f32 to vector<16xf32>
      %eq3A_87 = arith.cmpf oeq, %sub3A_84, %eq3A_86 : vector<16xf32>
      %and3A_88 = arith.constant 1 : i32
      %and3A_89 = vector.broadcast %and3A_88 : i32 to vector<16xi32>
      %and3A_90 = arith.andi %convert_element_type3A_82, %and3A_89 : vector<16xi32>
      %eq3A_91 = arith.constant 1 : i32
      %eq3A_92 = vector.broadcast %eq3A_91 : i32 to vector<16xi32>
      %eq3A_93 = arith.cmpi eq, %and3A_90, %eq3A_92 : vector<16xi32>
      %and3A_94 = arith.andi %eq3A_87, %eq3A_93 : vector<16xi1>
      %sub3A_95 = arith.constant 1 : i32
      %sub3A_96 = vector.broadcast %sub3A_95 : i32 to vector<16xi32>
      %sub3A_97 = arith.subi %convert_element_type3A_82, %sub3A_96 : vector<16xi32>
      %select_n3A_98 = arith.select %and3A_94, %sub3A_97, %convert_element_type3A_82 : vector<16xi1>, vector<16xi32>
      %gather3A_99 = tpu.vector_load_idx %arg6[%select_n3A_98] : memref<1001xf32, #tpu.memory_space<vmem>>[vector<16xi32>], vector<16xf32>,
      %swap3A_100 = arith.index_cast %add3A_73 : i32 to index
      %swap3A_101 = tpu.vector_load %arg7[%swap3A_100] {strides = array<i32>} : memref<512xf32, #tpu.memory_space<vmem>>, vector<16xf32>,
      tpu.vector_store %arg7[%swap3A_100], %gather3A_99 {strides = array<i32>} : memref<512xf32, #tpu.memory_space<vmem>>, vector<16xf32>,
      %scan3A_102 = arith.constant 3 : i32
      %scan3A_103 = arith.addi %scan3A_9, %scan3A_102 : i32
      %mul3A_104 = arith.constant 16 : i32
      %mul3A_105 = arith.muli %scan3A_103, %mul3A_104 : i32
      %add3A_106 = arith.constant 0 : i32
      %add3A_107 = arith.addi %add3A_106, %mul3A_105 : i32
      %get3A_108 = arith.index_cast %add3A_107 : i32 to index
      %get3A_109 = tpu.vector_load %arg5[%get3A_108] {strides = array<i32>} : memref<512xf32, #tpu.memory_space<vmem>>, vector<16xf32>,
      %mul3A_110 = arith.constant 1.000000e+03 : f32
      %mul3A_111 = vector.broadcast %mul3A_110 : f32 to vector<16xf32>
      %mul3A_112 = arith.mulf %get3A_109, %mul3A_111 : vector<16xf32>
      %add3A_113 = arith.constant 5.000000e-01 : f32
      %add3A_114 = vector.broadcast %add3A_113 : f32 to vector<16xf32>
      %add3A_115 = arith.addf %mul3A_112, %add3A_114 : vector<16xf32>
      %convert_element_type3A_116 = arith.fptosi %add3A_115 : vector<16xf32> to vector<16xi32>
      %convert_element_type3A_117 = arith.sitofp %convert_element_type3A_116 : vector<16xi32> to vector<16xf32>
      %sub3A_118 = arith.subf %convert_element_type3A_117, %mul3A_112 : vector<16xf32>
      %eq3A_119 = arith.constant 5.000000e-01 : f32
      %eq3A_120 = vector.broadcast %eq3A_119 : f32 to vector<16xf32>
      %eq3A_121 = arith.cmpf oeq, %sub3A_118, %eq3A_120 : vector<16xf32>
      %and3A_122 = arith.constant 1 : i32
      %and3A_123 = vector.broadcast %and3A_122 : i32 to vector<16xi32>
      %and3A_124 = arith.andi %convert_element_type3A_116, %and3A_123 : vector<16xi32>
      %eq3A_125 = arith.constant 1 : i32
      %eq3A_126 = vector.broadcast %eq3A_125 : i32 to vector<16xi32>
      %eq3A_127 = arith.cmpi eq, %and3A_124, %eq3A_126 : vector<16xi32>
      %and3A_128 = arith.andi %eq3A_121, %eq3A_127 : vector<16xi1>
      %sub3A_129 = arith.constant 1 : i32
      %sub3A_130 = vector.broadcast %sub3A_129 : i32 to vector<16xi32>
      %sub3A_131 = arith.subi %convert_element_type3A_116, %sub3A_130 : vector<16xi32>
      %select_n3A_132 = arith.select %and3A_128, %sub3A_131, %convert_element_type3A_116 : vector<16xi1>, vector<16xi32>
      %gather3A_133 = tpu.vector_load_idx %arg6[%select_n3A_132] : memref<1001xf32, #tpu.memory_space<vmem>>[vector<16xi32>], vector<16xf32>,
      %swap3A_134 = arith.index_cast %add3A_107 : i32 to index
      %swap3A_135 = tpu.vector_load %arg7[%swap3A_134] {strides = array<i32>} : memref<512xf32, #tpu.memory_space<vmem>>, vector<16xf32>,
      tpu.vector_store %arg7[%swap3A_134], %gather3A_133 {strides = array<i32>} : memref<512xf32, #tpu.memory_space<vmem>>, vector<16xf32>,
    }
    %scan3A_8 = arith.constant 32 : i32
    "tpu.region"() ({
      %run_scoped3A = tpu.sem_alloc : memref<!tpu.dma_semaphore, #tpu.memory_space<semaphore_mem>>
      %dma_start3A_9 = tpu.memref_slice %arg4[%mul3A_2] : memref<16384xf32, #tpu.memory_space<hbm>> -> memref<512xf32, #tpu.memory_space<hbm>>
      %dma_start3A_10 = tpu.memref_slice %arg4[%mul3A_2] : memref<16384xf32, #tpu.memory_space<hbm>> -> memref<512xf32, #tpu.memory_space<hbm>>
      tpu.enqueue_dma source(%arg7 : memref<512xf32, #tpu.memory_space<vmem>>) target(%dma_start3A_10 : memref<512xf32, #tpu.memory_space<hbm>>) target_semaphore(%run_scoped3A : memref<!tpu.dma_semaphore, #tpu.memory_space<semaphore_mem>>)
      %dma_wait3A_11 = tpu.memref_slice %arg4[%mul3A_2] : memref<16384xf32, #tpu.memory_space<hbm>> -> memref<512xf32, #tpu.memory_space<hbm>>
      %dma_wait3A_12 = tpu.memref_slice %arg4[%mul3A_2] : memref<16384xf32, #tpu.memory_space<hbm>> -> memref<512xf32, #tpu.memory_space<hbm>>
      tpu.wait_dma2 semaphore(%run_scoped3A : memref<!tpu.dma_semaphore, #tpu.memory_space<semaphore_mem>>) src(%arg7 : memref<512xf32, #tpu.memory_space<vmem>>) dst(%dma_wait3A_12 : memref<512xf32, #tpu.memory_space<hbm>>)
      tpu.yield
    }) : () -> ()
    return
  }
}

</mosaic_0001>

<sc_bundles>
// kernel: kernel.3.cloned.1.call-start
scs
__scs_entry_jumppad:
0x0: {  	(pc) =	sbr.rel $0x88, $3  }
0x1: {  	(tag) =	ssettag $0x0;
	lr =	simm.s32 $0x1  }
0x2: {  	[smem:$0x3F9F] =	sst lr;
	_ =	strace $0xD0000000  }
0x3: {  	_ = 	snop  }
0x4: {  	_ = 	snop  }
0x5: {  	_ = 	snop  }
0x6: {  	_ = 	snop  }
0x7: {  	_ = 	snop  }
__scs_overlays_trampoline_lowered:
0x8: {  	[smem:$0x3FAE] =	sst s0  }
0x9: {  	[smem:$0x3FAF] =	sst s1  }
0xa: {  	[smem:$0x3FB0] =	sst s2  }
0xb: {  	[smem:$0x3FB1] =	sst s3  }
0xc: {  	[smem:$0x3FB2] =	sst s4  }
0xd: {  	[smem:$0x3FB3] =	sst s5  }
0xe: {  	[smem:$0x3FB4] =	sst s6  }
0xf: {  	[smem:$0x3FB5] =	sst s7  }
0x10: {  	[smem:$0x3FB6] =	sst s8  }
0x11: {  	[smem:$0x3FB7] =	sst s9;
	s0 =	simm.s32 @!p0 $0x0  }
0x12: {  	s1 =	sld [smem:$0x3F9D];
	s0 =	simm.s32 @p0 $0x1  }
0x13: {  	[smem:$0x3FB8] =	sst s0;
	s0 =	simm.s32 @!p1 $0x0  }
0x14: {  	s2 =	sld [smem:$0x3F9C];
	s0 =	simm.s32 @p1 $0x1  }
0x15: {  	[smem:$0x3FB9] =	sst s0;
	s0 =	simm.s32 @!p2 $0x0  }
0x16: {  	s3 =	sld [smem:$0x3FDB];
	s0 =	simm.s32 @p2 $0x1  }
0x17: {  	s4 =	simm.s32 $0x1BF5;
	[smem:$0x3FBB] =	sst s0  }
0x18: {  	s0 =	sld [smem:$0x3F9E];
	_ =	swait.ge [sflag:s4], $0x0  }
0x19: {  	s7 =	sld [smem:$0x3F9F]  }
0x1a: {  	s8 =	sadd.s32 $0xFFFFE003, lr  }
0x1b: {  	s9 =	sadd.s32 $0xFFFFFEF7, lr;
	s5 =	simm.s32 $0xFFFFFFFF;
	p2 =	slt.u32 s8, $0xFFFFF086  }
0x1c: {  	p1 =	slt.u32 s9, $0xF7A;
	s5 =	simm.s32 @!p2 $0x0  }
0x1d: {  	s5 =	simm.s32 @p1 $0x1;
	p0 =	seq.s32 s7, s2  }
0x1e: {  	s7 =	smul.u32 @!p0 $0xF7A, s2;
	p2 =	seq.s32 @!p0 s5, $0x0  }
0x1f: {  	s9 =	smul.u32 $0xF7A, s1;
	s8 =	simm.s32 @!p0 $0x1BF5;
	p2 =	por !p2, p0  }
0x20: {  	[sflag:s8] =	ssyncset.s32 @!p0 $0xFFFFF086;
	s6 =	sadd.s32 @!p0 s3, s7;
	s7 =	simm.s32 @!p0 $0x108  }
0x21: {  	s3 =	sadd.s32 s3, s9;
	s6 =	sadd.s32 @!p0 $0x88, s6;
	s7 =	simm.s32 @p2 $0x1082  }
0x22: {  	[simem:s7], [sflag:s8] =	dma.local @!p0 [hbm:s6], $0xF7A  }
0x23: {  	s9 =	sor.u32 $0xD0000000, s2;
	s6 =	simm.s32 $0x108;
	_ =	swait.ge @!p0 [sflag:s8], $0x0  }
0x24: {  	s3 =	sadd.s32 $0x88, s3;
	s6 =	simm.s32 @!p1 $0x1082;
	[sflag:s4] =	ssyncset.s32 $0xFFFFF086  }
0x25: {  	[simem:s6], [sflag:s4] =	dma.local [hbm:s3], $0xF7A  }
0x26: {  	[smem:$0x3F9F] =	sst s1;
	(tag) =	ssettag s2;
	_ =	strace s9  }
0x27: {  	s1 =	sld [smem:$0x3FAF]  }
0x28: {  	s2 =	sld [smem:$0x3FB0]  }
0x29: {  	s4 =	sld [smem:$0x3FB2]  }
0x2a: {  	p0 =	seq.s32 s5, $0x0;
	s5 =	sld [smem:$0x3FB3]  }
0x2b: {  	s6 =	sld [smem:$0x3FB4]  }
0x2c: {  	s7 =	sld [smem:$0x3FB5]  }
0x2d: {  	s3 =	simm.s32 $0x108;
	s8 =	sld [smem:$0x3FB6]  }
0x2e: {  	s3 =	simm.s32 @!p0 $0x1082;
	s9 =	sld [smem:$0x3FB7]  }
0x2f: {  	lr =	sadd.s32 s0, s3;
	s0 =	sld [smem:$0x3FAE]  }
0x30: {  	s3 =	sld [smem:$0x3FB1]  }
0x31: {  	[smem:$0x3FBA] =	sst s10  }
0x32: {  	s10 =	sld [smem:$0x3FB8];
	_ =	sdelay $0x3  }
0x33: {  	p0 =	seq.s32 s10, $0x1;
	s10 =	sld [smem:$0x3FBA];
	_ =	sdelay $0x3  }
0x34: {  	[smem:$0x3FBA] =	sst s10  }
0x35: {  	s10 =	sld [smem:$0x3FB9];
	_ =	sdelay $0x3  }
0x36: {  	p1 =	seq.s32 s10, $0x1;
	s10 =	sld [smem:$0x3FBA];
	_ =	sdelay $0x3  }
0x37: {  	[smem:$0x3FBA] =	sst s10  }
0x38: {  	s10 =	sld [smem:$0x3FBB]  }
0x39: {  	_ = 	snop;
	(pc) =	sbr.ind lr, $3  }
0x3a: {  	_ = 	snop  }
0x3b: {  	_ = 	snop  }
0x3c: {  	p2 =	seq.s32 s10, $0x1;
	s10 =	sld [smem:$0x3FBA]  }
0x3d: {  	_ =	shalt  }
0x3e: {  	_ =	shalt  }
0x3f: {  	_ =	shalt  }
0x40: {  	_ =	shalt  }
0x41: {  	_ =	shalt  }
0x42: {  	_ =	shalt  }
0x43: {  	_ =	shalt  }
0x44: {  	_ =	shalt  }
0x45: {  	_ =	shalt  }
0x46: {  	_ =	shalt  }
0x47: {  	_ =	shalt  }
0x48: {  	_ =	shalt  }
0x49: {  	_ =	shalt  }
0x4a: {  	_ =	shalt  }
0x4b: {  	_ =	shalt  }
0x4c: {  	_ =	shalt  }
0x4d: {  	_ =	shalt  }
0x4e: {  	_ =	shalt  }
0x4f: {  	_ =	shalt  }
0x50: {  	_ =	shalt  }
0x51: {  	_ =	shalt  }
0x52: {  	_ =	shalt  }
0x53: {  	_ =	shalt  }
0x54: {  	_ =	shalt  }
0x55: {  	_ =	shalt  }
0x56: {  	_ =	shalt  }
0x57: {  	_ =	shalt  }
0x58: {  	_ =	shalt  }
0x59: {  	_ =	shalt  }
0x5a: {  	_ =	shalt  }
0x5b: {  	_ =	shalt  }
0x5c: {  	_ =	shalt  }
0x5d: {  	_ =	shalt  }
0x5e: {  	_ =	shalt  }
0x5f: {  	_ =	shalt  }
0x60: {  	_ =	shalt  }
0x61: {  	_ =	shalt  }
0x62: {  	_ =	shalt  }
0x63: {  	_ =	shalt  }
0x64: {  	_ =	shalt  }
0x65: {  	_ =	shalt  }
0x66: {  	_ =	shalt  }
0x67: {  	_ =	shalt  }
0x68: {  	_ =	shalt  }
0x69: {  	_ =	shalt  }
0x6a: {  	_ =	shalt  }
0x6b: {  	_ =	shalt  }
0x6c: {  	_ =	shalt  }
0x6d: {  	_ =	shalt  }
0x6e: {  	_ =	shalt  }
0x6f: {  	_ =	shalt  }
0x70: {  	_ =	shalt  }
0x71: {  	_ =	shalt  }
0x72: {  	_ =	shalt  }
0x73: {  	_ =	shalt  }
0x74: {  	_ =	shalt  }
0x75: {  	_ =	shalt  }
0x76: {  	_ =	shalt  }
0x77: {  	_ =	shalt  }
0x78: {  	_ =	shalt  }
0x79: {  	_ =	shalt  }
0x7a: {  	_ =	shalt  }
0x7b: {  	_ =	shalt  }
0x7c: {  	_ =	shalt  }
0x7d: {  	_ =	shalt  }
0x7e: {  	_ =	shalt  }
0x7f: {  	_ =	shalt  }
0x80: {  	_ =	shalt  }
0x81: {  	_ =	shalt  }
0x82: {  	_ =	shalt  }
0x83: {  	_ =	shalt  }
0x84: {  	_ =	shalt  }
0x85: {  	_ =	shalt  }
0x86: {  	_ =	shalt  }
0x87: {  	_ =	shalt  }
.Lfunc_end0:
.L_simem_size_0:
called_computation_lowered:
.L_overlay_start_0:
0x88: {  	s2 =	sld [smem:$0x3FD9]  }
0x89: {  	s3 =	sld [smem:$0x3FFE];
	_ =	sdelay $0x1  }
0x8a: {  	s1 =	srdreg.scid  }
0x8b: {  	s0 =	sand.u32 $0x1, s1  }
0x8c: {  	s18 =	sshll.u32 s0, $0xA;
	s2 =	sadd.s32 s3, s2  }
0x8d: {  	s2 =	sadd.s32 s2, s18  }
0x8e: {  	[smem:$0x3FC6] =	sst s2  }
0x8f: {  	_ = 	snop  }
0x90: {  	s2 =	sld [smem:$0x3FC9]  }
0x91: {  	s19 =	sld [smem:$0x3FC8]  }
0x92: {  	s4 =	sld [smem:$0x3FD0];
	(tm) =	ssettm $0x1  }
0x93: {  	s5 =	sld [smem:$0x3FFB];
	_ =	sdelay $0x3  }
0x94: {  	_ =	strace s5  }
0x95: {  	s5 =	sld [smem:$0x3FFC];
	_ =	sdelay $0x3  }
0x96: {  	_ =	strace s5  }
0x97: {  	s5 =	sld [smem:$0x3FFD];
	_ =	sdelay $0x3  }
0x98: {  	_ =	strace s5  }
0x99: {  	_ =	strace $0x8FFFFFFF  }
0x9a: {  	s20 =	sld [smem:$0x3FDB];
	_ =	sdelay $0x1  }
0x9b: {  	s6 =	simm.s32 $_scs_section_size  }
0x9c: {  	s7 =	simm.s32 $_size__tile_overlayer_lowered;
	s8 =	simm.s32 $_tile_overlayer_lowered  }
0x9d: {  	s23 =	simm.s32 $0x1BFF;
	s22 =	sshll.u32 s8, $0x1;
	s5 =	sadd.s32 s6, s20  }
0x9e: {  	s9 =	simm.s32 $0x0;
	s21 =	sshll.u32 s7, $0x1;
	s7 =	sadd.s32 s22, s5  }
0x9f: {  	[timem:s9], [sflag:s23] =	dma.local [hbm:s7], s21  }
0xa0: {  	_ =	swait.ge [sflag:s23], s21  }
0xa1: {  	s6 =	ssub.s32 $0x0, s21;
	[sflag:s23] =	ssyncset.done $0x0  }
0xa2: {  	[sflag:s23] =	ssyncadd.s32 s6;
	_ =	sdelay $0x1  }
0xa3: {  	s24 =	simm.s32 $0x1B8B  }
0xa4: {  	_ =	swait.ge [sflag:s24], $0x1  }
0xa5: {  	[sflag:s24] =	ssyncset.done $0x0  }
0xa6: {  	s25 =	simm.s32 $0x1B8E;
	[sflag:s24] =	ssyncadd.s32 $0xFFFFFFFF  }
0xa7: {  	s26 =	simm.s32 $execute0_lowered;
	[smem:$0x3FD2] =	sst s25  }
0xa8: {  	s6 =	sshll.u32 s26, $0x1;
	_ =	strace $0x80000046;
	[dreg:$0x1] =	wrdreg $0xFFFFFFFF  }
0xa9: {  	s28 =	simm.s32 $_size_execute0_lowered;
	s5 =	sadd.s32 s5, s6;
	[dreg:$0x0] =	wrdreg $0x0  }
0xaa: {  	s6 =	sshll.u32 s28, $0x1;
	[dreg:$0x2] =	wrdreg s5  }
0xab: {  	[dreg:$0x3] =	wrdreg s6  }
0xac: {  	[dreg:$0x4] =	wrdreg $0xC0  }
0xad: {  	_ =	task [dreg:s9], $0x5FFFF  }
0xae: {  	[dreg:$0x1] =	wrdreg $0xFFFFFFFF  }
0xaf: {  	[dreg:$0x0] =	wrdreg $0x60  }
0xb0: {  	[dreg:$0x2] =	wrdreg s2  }
0xb1: {  	[dreg:$0x3] =	wrdreg s19  }
0xb2: {  	[dreg:$0x4] =	wrdreg s4  }
0xb3: {  	[dreg:$0x5] =	wrdreg $0x9  }
0xb4: {  	_ =	task.clear_ibuf [dreg:s9], $0x6FFFF;
	_ =	strace $0x90000046  }
0xb5: {  	s29 =	simm.s32 $0x9;
	_ =	strace $0x80000048  }
0xb6: {  	_ =	swait.ge [sflag:s29], $0x1  }
0xb7: {  	[sflag:s29] =	ssyncadd.s32 $0xFFFFFFFF  }
0xb8: {  	_ =	strace $0x90000048  }
0xb9: {  	_ =	sfence  }
0xba: {  	s30 =	sld [smem:$0x0];
	_ =	sdelay $0x2  }
0xbb: {  	s31 =	sshll.u32 s1, $0xD;
	s1 =	sshrl.u32 s1, $0x2  }
0xbc: {  	s3 =	sand.u32 $0x4000, s31;
	s1 =	sadd.s32 s1, s30  }
0xbd: {  	s0 =	sor.u32 s3, s0;
	s1 =	sshll.u32 s1, $0x11  }
0xbe: {  	s0 =	sor.u32 s1, s0  }
0xbf: {  	s0 =	sadd.s32 $0x8F2B, s0  }
0xc0: {  	[sflag:s0] =	ssyncadd.remote.s32 $0x1  }
0xc1: {  	_ =	sfence.sel $0xFFFF  }
0xc2: {  	[dreg:$0x0] =	wrdreg $0xFFFFFFFF;
	(pc) =	sbr.abs _section_cstart, $3  }
0xc3: {  	[dreg:$0x1] =	wrdreg $0xFFFFFFFF  }
0xc4: {  	_ =	task.clear_ibuf [dreg:s9], $0x2FFFF;
	_ =	strace $0x9FFFFFFF  }
0xc5: {  	(tm) =	ssettm $0x7FFFFFFF  }
tec
execute0_lowered:
.L_overlay_start_1:
0x0: {  	(tag) =	ssettag $0x1  }
0x1: {  	s4 =	rddreg [dreg:$0x0]  }
0x2: {  	s1 =	rddreg [dreg:$0x1]  }
0x3: {  	s5 =	rddreg [dreg:$0x2];
	s2 =	srdreg.scid  }
0x4: {  	s0 =	rddreg [dreg:$0x3];
	s3 =	simm.s32 $0x0;
	s10 =	simm.s32 $0x600  }
0x5: {  	s11 =	simm.s32 $0x3;
	s12 =	simm.s32 $0x0;
	s6 =	sand.u32 $0x1, s2  }
0x6: {  	[smem:$0x7FF] =	sst s3;
	s2 =	stileid.u32;
	s7 =	ssub.s32 $0x2, s6  }
0x7: {  	s9 =	sshll.u32 s2, $0x7;
	s6 =	sshll.u32 s6, $0x6;
	_ =	strace $0x80000047  }
0x8: {  	s8 =	sshrl.u32 s7, $0x1;
	s6 =	sor.u32 s6, s9;
	s9 =	simm.s32 $0x2  }
0x9: {  	s7 =	ssub.s32 s7, s8;
	s4 =	sadd.s32 s4, s6;
	s5 =	sadd.s32 s5, s6  }
0xa: {  	v0 =	vimm.s32 $0x0;
	s8 =	simm.s32 $0x1;
	s6 =	smax.u32 s7, $0x1;
	s7 =	simm.s32 $0x200  }
.LBB2_1:
0xb: {  	[tilespmem:s3], [sflag:$0x1] =	stream.linear.gather [hbm4b:s4+s3], $0x200, $0x38;
	[tilespmem:$0x800] =	vst v63  }
0xc: {  	_ = 	snop  }
0xd: {  	[tilespmem:s7], [sflag:$0x2] =	stream.linear.gather [hbm4b:s1+s3], $0x400, $0x38;
	[tilespmem:$0x800] =	vst v63  }
0xe: {  	_ =	swait.ge [sflag:s8], $0x200  }
0xf: {  	[sflag:s8] =	ssyncset.done $0x0  }
0x10: {  	[sflag:s8] =	ssyncadd.s32 $0xFFFFFE00  }
0x11: {  	_ =	swait.ge [sflag:s9], $0x400  }
0x12: {  	s13 =	simm.s32 $0xFFFFFFFC;
	[sflag:s9] =	ssyncset.done $0x0  }
0x13: {  	s14 =	simm.s32 $0x620;
	s15 =	simm.s32 $0x20;
	[sflag:s9] =	ssyncadd.s32 $0xFFFFFC00  }
.LBB2_2:
0x14: {  	v1 =	vld [tilespmem:s15+$0xFFFFFFE0];
	_ =	sdelay $0x4  }
0x15: {  	v1 =	vmul.f32 $1.000000000e+03, v1;
	_ =	sdelay $0x1  }
0x16: {  	v2 =	vadd.f32 $5.000000000e-01, v1;
	_ =	sdelay $0x1  }
0x17: {  	v2 =	vtrunc.f32 v2  }
0x18: {  	v2 =	vcvt.f32.s32 v2;
	_ =	sdelay $0x1  }
0x19: {  	v3 =	vcvt.s32.f32 v2;
	_ =	sdelay $0x1  }
0x1a: {  	v1 =	vsub.f32 v3, v1  }
0x1b: {  	v3 =	vand.u32 $0x1, v2  }
0x1c: {  	vm1 =	veq.s32 v3, $0x1;
	vm0 =	veq.f32 v1, $5.000000000e-01  }
0x1d: {  	vm0 =	vmand vm0, vm1  }
0x1e: {  	v1 =	vsel vm0, $0xFFFFFFFF, v0  }
0x1f: {  	v1 =	vadd.s32 v2, v1;
	_ =	sdelay $0x4  }
0x20: {  	v1 =	vld.idx.msk [tilespmem:v1+s7+$0x0], $0xffff;
	_ =	sdelay $0x4  }
0x21: {  	[tilespmem:s14+$0xFFFFFFE0] =	vst v1  }
0x22: {  	v1 =	vld [tilespmem:s15+$0xFFFFFFF0];
	_ =	sdelay $0x4  }
0x23: {  	v1 =	vmul.f32 $1.000000000e+03, v1;
	_ =	sdelay $0x1  }
0x24: {  	v2 =	vadd.f32 $5.000000000e-01, v1;
	_ =	sdelay $0x1  }
0x25: {  	v2 =	vtrunc.f32 v2  }
0x26: {  	v2 =	vcvt.f32.s32 v2;
	_ =	sdelay $0x1  }
0x27: {  	v3 =	vcvt.s32.f32 v2;
	_ =	sdelay $0x1  }
0x28: {  	v1 =	vsub.f32 v3, v1  }
0x29: {  	v3 =	vand.u32 $0x1, v2  }
0x2a: {  	vm11 =	veq.s32 v3, $0x1;
	vm10 =	veq.f32 v1, $5.000000000e-01  }
0x2b: {  	vm0 =	vmand vm10, vm11  }
0x2c: {  	v1 =	vsel vm0, $0xFFFFFFFF, v0  }
0x2d: {  	v1 =	vadd.s32 v2, v1;
	_ =	sdelay $0x4  }
0x2e: {  	v1 =	vld.idx.msk [tilespmem:v1+s7+$0x0], $0xffff;
	_ =	sdelay $0x4  }
0x2f: {  	[tilespmem:s14+$0xFFFFFFF0] =	vst v1  }
0x30: {  	v1 =	vld [tilespmem:s15+$0x0];
	_ =	sdelay $0x4  }
0x31: {  	v1 =	vmul.f32 $1.000000000e+03, v1;
	_ =	sdelay $0x1  }
0x32: {  	v2 =	vadd.f32 $5.000000000e-01, v1;
	_ =	sdelay $0x1  }
0x33: {  	v2 =	vtrunc.f32 v2  }
0x34: {  	v2 =	vcvt.f32.s32 v2;
	_ =	sdelay $0x1  }
0x35: {  	v3 =	vcvt.s32.f32 v2;
	_ =	sdelay $0x1  }
0x36: {  	v1 =	vsub.f32 v3, v1  }
0x37: {  	v3 =	vand.u32 $0x1, v2  }
0x38: {  	vm13 =	veq.s32 v3, $0x1;
	vm12 =	veq.f32 v1, $5.000000000e-01  }
0x39: {  	vm0 =	vmand vm12, vm13  }
0x3a: {  	v1 =	vsel vm0, $0xFFFFFFFF, v0  }
0x3b: {  	v1 =	vadd.s32 v2, v1;
	_ =	sdelay $0x4  }
0x3c: {  	v1 =	vld.idx.msk [tilespmem:v1+s7+$0x0], $0xffff;
	_ =	sdelay $0x4  }
0x3d: {  	[tilespmem:s14+$0x0] =	vst v1  }
0x3e: {  	v1 =	vld [tilespmem:s15+$0x10];
	_ =	sdelay $0x4  }
0x3f: {  	v1 =	vmul.f32 $1.000000000e+03, v1;
	_ =	sdelay $0x1  }
0x40: {  	v2 =	vadd.f32 $5.000000000e-01, v1;
	_ =	sdelay $0x1  }
0x41: {  	v2 =	vtrunc.f32 v2  }
0x42: {  	v2 =	vcvt.f32.s32 v2;
	_ =	sdelay $0x1  }
0x43: {  	v3 =	vcvt.s32.f32 v2;
	_ =	sdelay $0x1  }
0x44: {  	v1 =	vsub.f32 v3, v1  }
0x45: {  	v3 =	vand.u32 $0x1, v2  }
0x46: {  	vm15 =	veq.s32 v3, $0x1;
	vm14 =	veq.f32 v1, $5.000000000e-01  }
0x47: {  	vm0 =	vmand vm14, vm15  }
0x48: {  	v1 =	vsel vm0, $0xFFFFFFFF, v0  }
0x49: {  	v1 =	vadd.s32 v2, v1;
	_ =	sdelay $0x3  }
0x4a: {  	s13 =	sadd.s32 $0x4, s13  }
0x4b: {  	p0 =	slt.u32 s13, $0x1C;
	v1 =	vld.idx.msk [tilespmem:v1+s7+$0x0], $0xffff  }
.Ltmp0:
0x4c: {  	_ = 	snop;
	(pc) =	sbr.rel @p0 .LBB2_2-.Ltmp0, $2  }
0x4d: {  	_ =	sdelay $0x2  }
0x4e: {  	s15 =	sadd.s32 $0x40, s15;
	[tilespmem:s14+$0x10] =	vst v1;
	s14 =	sadd.s32 $0x40, s14  }
0x4f: {  	s12 =	sadd.s32 $0x1, s12  }
0x50: {  	p0 =	sne.s32 s12, s6  }
.Ltmp1:
0x51: {  	_ = 	snop;
	(pc) =	sbr.rel @p0 .LBB2_1-.Ltmp1, $4  }
0x52: {  	[hbm4b:s5+s3] =	stream.linear.scatter [tilespmem:s10], [sflag:$0x3], $0x200, $0x38;
	[tilespmem:$0x800] =	vst v63  }
0x53: {  	_ =	swait.ge [sflag:s11], $0x200  }
0x54: {  	[sflag:s11] =	ssyncset.done $0x0  }
0x55: {  	[sflag:s11] =	ssyncadd.s32 $0xFFFFFE00  }
0x56: {  	_ =	sfence.sel $0x180000  }
0x57: {  	[bflag:$0x0] =	sbarrier.arrive $0xFFFF  }
0x58: {  	p0 =	sne.s32 s2, $0x0;
	_ =	strace $0x90000047  }
0x59: {  	s0 =	sadd.s32 @!p0 $0x100000, s0;
	[bflag:$0x2] =	sbarrier.arrive $0xFFFF  }
0x5a: {  	[sflag:s0] =	ssyncadd.tile.s32 @!p0 $0x1;
	_ =	shalt  }
.Lfunc_end2:
_tile_overlayer_lowered:
.L_overlay_start_2:
0x5b: {  	(tag) =	ssettag $0x2  }
0x5c: {  	s0 =	rddreg [dreg:$0x0];
	s2 =	stileid.u32  }
0x5d: {  	s1 =	rddreg [dreg:$0x1];
	p0 =	sne.s32 s2, $0x0  }
0x5e: {  	s3 =	rddreg [dreg:$0x2];
	[bflag:$0x3] =	sbarrier.arrive $0xFFFF;
	s2 =	simm.s32 @!p0 $0x1C03  }
0x5f: {  	[timem:s3], [sflag:s2] =	dma.local @!p0 [hbm:s0], s1  }
0x60: {  	s0 =	simm.s32 @!p0 $0x3  }
0x61: {  	_ =	swait.ge @!p0 [sflag:s0], s1  }
0x62: {  	s1 =	ssub.s32 @!p0 $0x0, s1;
	[sflag:s0] =	ssyncset.done @!p0 $0x0  }
0x63: {  	[sflag:s0] =	ssyncadd.s32 @!p0 s1  }
0x64: {  	[bflag:$0x3] =	sbarrier.arrive $0xFFFF  }
0x65: {  	_ =	shalt  }

</sc_bundles>
